<compile_context>
chip_gen: v7x
topology: tpu7x:2x2x1
jax: 0.10.2.dev20260603
libtpu: 0.0.44.dev20260713+nightly
codegen_flags: <defaults>
</compile_context>

<pallas_src>
import jax
import jax.numpy as jnp
from jax import lax
from jax.experimental import pallas as pl
from jax.experimental.pallas import tpu as pltpu
from jax.experimental.pallas import tpu_sc as plsc

_B = 64
_S = 576
_D = 768
_SB = 8
_NBLK = (_S + 1 + _SB - 1) // _SB
_NBUF = 6


def _in_dmas(in_hbm, buf, sem, j):
    for s in range(_SB):
        row = jnp.clip(_SB * j + s - 1, 0, _S - 1)
        pltpu.async_copy(in_hbm.at[:, row, :], buf.at[s], sem)


def _wait_in(in_hbm, buf, sem):
    for s in range(_SB):
        pltpu.make_async_copy(in_hbm.at[:, 0, :], buf.at[s], sem).wait()


def _tc_body(in_hbm, pos_ref, out_ref, b0, b1, b2, b3, b4, b5, in_sems):
    j = pl.program_id(0)
    bufs = (b0, b1, b2, b3, b4, b5)

    @pl.when(j == 0)
    def _():
        _in_dmas(in_hbm, bufs[0], in_sems.at[0], 0)
        _in_dmas(in_hbm, bufs[1], in_sems.at[1], 1)
        _in_dmas(in_hbm, bufs[2], in_sems.at[2], 2)
        _in_dmas(in_hbm, bufs[3], in_sems.at[3], 3)
        _in_dmas(in_hbm, bufs[4], in_sems.at[4], 4)

    for p in range(_NBUF):
        @pl.when(j % _NBUF == p)
        def _(p=p):
            _wait_in(in_hbm, bufs[p], in_sems.at[p])

            pos_b = jnp.broadcast_to(
                pos_ref[...].reshape(_SB, 1, _D), (_SB, _B, _D))
            out_ref[...] = bufs[p][...] + pos_b

            @pl.when(j + 5 < _NBLK)
            def _():
                q = (p + 5) % _NBUF
                _in_dmas(in_hbm, bufs[q], in_sems.at[q], j + 5)



@jax.jit
def _run_tc(inputs, position_table):
    pos_pad = lax.slice(position_table, (0, 0), (_NBLK * _SB, _D))
    out_t = pl.pallas_call(
        _tc_body,
        grid=(_NBLK,),
        in_specs=[
            pl.BlockSpec(memory_space=pltpu.HBM),
            pl.BlockSpec((_SB, _D), lambda j: (j, 0)),
        ],
        out_specs=pl.BlockSpec((_SB, _B, _D), lambda j: (j, 0, 0)),
        out_shape=jax.ShapeDtypeStruct((_S + 1, _B, _D), jnp.float32),
        scratch_shapes=[
            pltpu.VMEM((_SB, _B, _D), jnp.float32),
            pltpu.VMEM((_SB, _B, _D), jnp.float32),
            pltpu.VMEM((_SB, _B, _D), jnp.float32),
            pltpu.VMEM((_SB, _B, _D), jnp.float32),
            pltpu.VMEM((_SB, _B, _D), jnp.float32),
            pltpu.VMEM((_SB, _B, _D), jnp.float32),
            pltpu.SemaphoreType.DMA((_NBUF,)),
        ],
    )(inputs, pos_pad)
    return out_t


_LANES = 16
_CLS_CHUNK = _D // _LANES


def _sc_body(cls_h, pos_h, out_h, cls_v, p0_v):
    wid = lax.axis_index("s") * 2 + lax.axis_index("c")

    pltpu.sync_copy(cls_h, cls_v)
    pltpu.sync_copy(pos_h.at[pl.ds(0, _D)], p0_v)

    @plsc.parallel_loop(0, _CLS_CHUNK, 1, unroll=8)
    def _(i):
        sl = pl.ds(i * _LANES, _LANES)
        plsc.addupdate(cls_v.at[sl], p0_v[sl])

    pltpu.sync_copy(cls_v, out_h.at[pl.ds((2 * wid) * _D, _D)])
    pltpu.sync_copy(cls_v, out_h.at[pl.ds((2 * wid + 1) * _D, _D)])


@jax.jit
def _run_sc(cls_flat, pos_flat):
    mesh = plsc.VectorSubcoreMesh(core_axis_name="c", subcore_axis_name="s")
    f = pl.kernel(
        _sc_body,
        out_type=jax.ShapeDtypeStruct((_B * _D,), jnp.float32),
        mesh=mesh,
        scratch_types=[
            pltpu.VMEM((_D,), jnp.float32),
            pltpu.VMEM((_D,), jnp.float32),
        ],
    )
    return f(cls_flat, pos_flat)


def kernel(inputs, class_embed, position_table):
    pos0 = lax.slice(position_table, (0, 0), (1, _D)).reshape(_D)
    sc_row = _run_sc(class_embed.reshape(_D), pos0)
    out_t = _run_tc(inputs, position_table)
    out_t = lax.dynamic_update_slice(
        out_t, sc_row.reshape(1, _B, _D), (0, 0, 0))
    return out_t.transpose(1, 0, 2)

# --- scband reference (transcript-rebuilt; emitter-appended) ---
"""Pipeline reference for scband-patch-class-embedding-12919261626759 (READ-ONLY COPY).

The authoritative reference and input builder live on the scoring server;
editing this copy changes nothing except your own understanding.
"""

import jax, jax.numpy as jnp
import numpy as np

D_MODEL = 768
N_PATCHES = 576
BATCH = 64

def setup_inputs(seed: int = 0) -> dict:
    key = jax.random.key(seed)
    k1, k2, k3 = jax.random.split(key, 3)
    inputs = jax.random.normal(k1, (BATCH, N_PATCHES, D_MODEL), dtype=jnp.float32)
    # class token parameter (kaiming-normal init in torch; std ~ sqrt(2/fan_in))
    class_embed = jax.random.normal(k2, (1, 1, D_MODEL), dtype=jnp.float32) * np.sqrt(2.0 / D_MODEL)
    # nn.Embedding(770, d_model) default init: N(0, 1)
    position_table = jax.random.normal(k3, (770, D_MODEL), dtype=jnp.float32)
    return {"inputs": inputs, "class_embed": class_embed, "position_table": position_table}

def reference(inputs, class_embed, position_table):
    batch_size, seq_len, d_model = inputs.shape
    ce = jnp.broadcast_to(class_embed, (batch_size, 1, d_model))
    x = jnp.concatenate([ce, inputs], axis=1)
    positions = jnp.arange(seq_len + 1)
    pe = jnp.take(position_table, positions, axis=0)  # [seq_len+1, d_model]
    pe = jnp.broadcast_to(pe[None, :, :], (batch_size, seq_len + 1, d_model))
    encoded = x + pe
    return encoded

if __name__ == "__main__":
    import jax
    _d = setup_inputs()
    print(jax.jit(kernel)(*tuple(_d.values())))

</pallas_src>

<mosaic_0001>
#map = affine_map<(d0, d1) -> (0)>
module attributes {stable_mosaic.version = 14 : i64} {
  func.func @_sc_body(%arg0: i32, %arg1: i32, %arg2: memref<768xf32, #tpu.memory_space<hbm>>, %arg3: memref<768xf32, #tpu.memory_space<hbm>>, %arg4: memref<49152xf32, #tpu.memory_space<hbm>>, %arg5: memref<768xf32, #tpu.memory_space<vmem>>, %arg6: memref<768xf32, #tpu.memory_space<vmem>>) attributes {dimension_semantics = [#tpu.dimension_semantics<core_parallel>, #tpu.dimension_semantics<subcore_parallel>], iteration_bounds = array<i64: 2, 16>, scalar_prefetch = 0 : i64, scratch_operands = 2 : i64, tpu.core_type = #tpu.core_type<sc_vector_subcore>, window_params = [{transform_indices = #map}, {transform_indices = #map}, {transform_indices = #map}]} {
    %mul3A = arith.constant 2 : i32
    %mul3A_0 = arith.muli %arg1, %mul3A : i32
    %add3A = arith.addi %mul3A_0, %arg0 : i32
    "tpu.region"() ({
      %run_scoped3A = tpu.sem_alloc : memref<!tpu.dma_semaphore, #tpu.memory_space<semaphore_mem>>
      tpu.enqueue_dma source(%arg2 : memref<768xf32, #tpu.memory_space<hbm>>) target(%arg5 : memref<768xf32, #tpu.memory_space<vmem>>) target_semaphore(%run_scoped3A : memref<!tpu.dma_semaphore, #tpu.memory_space<semaphore_mem>>)
      tpu.wait_dma2 semaphore(%run_scoped3A : memref<!tpu.dma_semaphore, #tpu.memory_space<semaphore_mem>>) src(%arg2 : memref<768xf32, #tpu.memory_space<hbm>>) dst(%arg5 : memref<768xf32, #tpu.memory_space<vmem>>)
      tpu.yield
    }) : () -> ()
    "tpu.region"() ({
      %run_scoped3A = tpu.sem_alloc : memref<!tpu.dma_semaphore, #tpu.memory_space<semaphore_mem>>
      %dma_start3A = arith.constant 0 : i32
      %dma_start3A_13 = tpu.memref_slice %arg3[%dma_start3A] : memref<768xf32, #tpu.memory_space<hbm>> -> memref<768xf32, #tpu.memory_space<hbm>>
      %dma_start3A_14 = arith.constant 0 : i32
      %dma_start3A_15 = tpu.memref_slice %arg3[%dma_start3A_14] : memref<768xf32, #tpu.memory_space<hbm>> -> memref<768xf32, #tpu.memory_space<hbm>>
      tpu.enqueue_dma source(%dma_start3A_15 : memref<768xf32, #tpu.memory_space<hbm>>) target(%arg6 : memref<768xf32, #tpu.memory_space<vmem>>) target_semaphore(%run_scoped3A : memref<!tpu.dma_semaphore, #tpu.memory_space<semaphore_mem>>)
      %dma_wait3A = arith.constant 0 : i32
      %dma_wait3A_16 = tpu.memref_slice %arg3[%dma_wait3A] : memref<768xf32, #tpu.memory_space<hbm>> -> memref<768xf32, #tpu.memory_space<hbm>>
      %dma_wait3A_17 = arith.constant 0 : i32
      %dma_wait3A_18 = tpu.memref_slice %arg3[%dma_wait3A_17] : memref<768xf32, #tpu.memory_space<hbm>> -> memref<768xf32, #tpu.memory_space<hbm>>
      tpu.wait_dma2 semaphore(%run_scoped3A : memref<!tpu.dma_semaphore, #tpu.memory_space<semaphore_mem>>) src(%dma_wait3A_18 : memref<768xf32, #tpu.memory_space<hbm>>) dst(%arg6 : memref<768xf32, #tpu.memory_space<vmem>>)
      tpu.yield
    }) : () -> ()
    %parallel_loop3A = arith.constant 0 : i32
    %parallel_loop3A_1 = arith.constant 48 : i32
    %parallel_loop3A_2 = arith.constant 1 : i32
    scf.for %parallel_loop3A_13 = %parallel_loop3A to %parallel_loop3A_1 step %parallel_loop3A_2  : i32 {
      %parallel_loop3A_14 = arith.constant 16 : i32
      %parallel_loop3A_15 = arith.muli %parallel_loop3A_13, %parallel_loop3A_14 : i32
      %parallel_loop3A_16 = arith.index_cast %parallel_loop3A_15 : i32 to index
      %parallel_loop3A_17 = tpu.vector_load %arg6[%parallel_loop3A_16] {strides = array<i32>} : memref<768xf32, #tpu.memory_space<vmem>>, vector<16xf32>,
      %parallel_loop3A_18 = vector.shape_cast %parallel_loop3A_17 : vector<16xf32> to vector<16xf32>
      %parallel_loop3A_19 = arith.index_cast %parallel_loop3A_15 : i32 to index
      %parallel_loop3A_20 = tpu.vector_load %arg5[%parallel_loop3A_19] {strides = array<i32>} : memref<768xf32, #tpu.memory_space<vmem>>, vector<16xf32>,
      %parallel_loop3A_21 = vector.shape_cast %parallel_loop3A_20 : vector<16xf32> to vector<16xf32>
      %parallel_loop3A_22 = vector.shape_cast %parallel_loop3A_18 : vector<16xf32> to vector<16xf32>
      tpu.vector_store %arg5[%parallel_loop3A_19], %parallel_loop3A_22 {add = true, strides = array<i32>} : memref<768xf32, #tpu.memory_space<vmem>>, vector<16xf32>,
    } {sc.loop_unroll_factor = 8 : i64, sc.parallel_access}
    %mul3A_3 = arith.constant 2 : i32
    %mul3A_4 = arith.muli %mul3A_3, %add3A : i32
    %mul3A_5 = arith.constant 768 : i32
    %mul3A_6 = arith.muli %mul3A_4, %mul3A_5 : i32
    "tpu.region"() ({
      %run_scoped3A = tpu.sem_alloc : memref<!tpu.dma_semaphore, #tpu.memory_space<semaphore_mem>>
      %dma_start3A = tpu.memref_slice %arg4[%mul3A_6] : memref<49152xf32, #tpu.memory_space<hbm>> -> memref<768xf32, #tpu.memory_space<hbm>>
      %dma_start3A_13 = tpu.memref_slice %arg4[%mul3A_6] : memref<49152xf32, #tpu.memory_space<hbm>> -> memref<768xf32, #tpu.memory_space<hbm>>
      tpu.enqueue_dma source(%arg5 : memref<768xf32, #tpu.memory_space<vmem>>) target(%dma_start3A_13 : memref<768xf32, #tpu.memory_space<hbm>>) target_semaphore(%run_scoped3A : memref<!tpu.dma_semaphore, #tpu.memory_space<semaphore_mem>>)
      %dma_wait3A = tpu.memref_slice %arg4[%mul3A_6] : memref<49152xf32, #tpu.memory_space<hbm>> -> memref<768xf32, #tpu.memory_space<hbm>>
      %dma_wait3A_14 = tpu.memref_slice %arg4[%mul3A_6] : memref<49152xf32, #tpu.memory_space<hbm>> -> memref<768xf32, #tpu.memory_space<hbm>>
      tpu.wait_dma2 semaphore(%run_scoped3A : memref<!tpu.dma_semaphore, #tpu.memory_space<semaphore_mem>>) src(%arg5 : memref<768xf32, #tpu.memory_space<vmem>>) dst(%dma_wait3A_14 : memref<768xf32, #tpu.memory_space<hbm>>)
      tpu.yield
    }) : () -> ()
    %mul3A_7 = arith.constant 2 : i32
    %mul3A_8 = arith.muli %mul3A_7, %add3A : i32
    %add3A_9 = arith.constant 1 : i32
    %add3A_10 = arith.addi %mul3A_8, %add3A_9 : i32
    %mul3A_11 = arith.constant 768 : i32
    %mul3A_12 = arith.muli %add3A_10, %mul3A_11 : i32
    "tpu.region"() ({
      %run_scoped3A = tpu.sem_alloc : memref<!tpu.dma_semaphore, #tpu.memory_space<semaphore_mem>>
      %dma_start3A = tpu.memref_slice %arg4[%mul3A_12] : memref<49152xf32, #tpu.memory_space<hbm>> -> memref<768xf32, #tpu.memory_space<hbm>>
      %dma_start3A_13 = tpu.memref_slice %arg4[%mul3A_12] : memref<49152xf32, #tpu.memory_space<hbm>> -> memref<768xf32, #tpu.memory_space<hbm>>
      tpu.enqueue_dma source(%arg5 : memref<768xf32, #tpu.memory_space<vmem>>) target(%dma_start3A_13 : memref<768xf32, #tpu.memory_space<hbm>>) target_semaphore(%run_scoped3A : memref<!tpu.dma_semaphore, #tpu.memory_space<semaphore_mem>>)
      %dma_wait3A = tpu.memref_slice %arg4[%mul3A_12] : memref<49152xf32, #tpu.memory_space<hbm>> -> memref<768xf32, #tpu.memory_space<hbm>>
      %dma_wait3A_14 = tpu.memref_slice %arg4[%mul3A_12] : memref<49152xf32, #tpu.memory_space<hbm>> -> memref<768xf32, #tpu.memory_space<hbm>>
      tpu.wait_dma2 semaphore(%run_scoped3A : memref<!tpu.dma_semaphore, #tpu.memory_space<semaphore_mem>>) src(%arg5 : memref<768xf32, #tpu.memory_space<vmem>>) dst(%dma_wait3A_14 : memref<768xf32, #tpu.memory_space<hbm>>)
      tpu.yield
    }) : () -> ()
    return
  }
}

</mosaic_0001>

<sc_bundles>
// kernel: _run_sc.3.cloned.1.call-start
scs
__scs_entry_jumppad:
0x0: {  	(pc) =	sbr.rel $0x88, $3  }
0x1: {  	(tag) =	ssettag $0x0;
	lr =	simm.s32 $0x1  }
0x2: {  	[smem:$0x3F9F] =	sst lr;
	_ =	strace $0xD0000000  }
0x3: {  	_ = 	snop  }
0x4: {  	_ = 	snop  }
0x5: {  	_ = 	snop  }
0x6: {  	_ = 	snop  }
0x7: {  	_ = 	snop  }
__scs_overlays_trampoline_lowered:
0x8: {  	[smem:$0x3FAE] =	sst s0  }
0x9: {  	[smem:$0x3FAF] =	sst s1  }
0xa: {  	[smem:$0x3FB0] =	sst s2  }
0xb: {  	[smem:$0x3FB1] =	sst s3  }
0xc: {  	[smem:$0x3FB2] =	sst s4  }
0xd: {  	[smem:$0x3FB3] =	sst s5  }
0xe: {  	[smem:$0x3FB4] =	sst s6  }
0xf: {  	[smem:$0x3FB5] =	sst s7  }
0x10: {  	[smem:$0x3FB6] =	sst s8  }
0x11: {  	[smem:$0x3FB7] =	sst s9;
	s0 =	simm.s32 @!p0 $0x0  }
0x12: {  	s1 =	sld [smem:$0x3F9D];
	s0 =	simm.s32 @p0 $0x1  }
0x13: {  	[smem:$0x3FB8] =	sst s0;
	s0 =	simm.s32 @!p1 $0x0  }
0x14: {  	s2 =	sld [smem:$0x3F9C];
	s0 =	simm.s32 @p1 $0x1  }
0x15: {  	[smem:$0x3FB9] =	sst s0;
	s0 =	simm.s32 @!p2 $0x0  }
0x16: {  	s3 =	sld [smem:$0x3FDB];
	s0 =	simm.s32 @p2 $0x1  }
0x17: {  	s4 =	simm.s32 $0x1BF5;
	[smem:$0x3FBB] =	sst s0  }
0x18: {  	s0 =	sld [smem:$0x3F9E];
	_ =	swait.ge [sflag:s4], $0x0  }
0x19: {  	s7 =	sld [smem:$0x3F9F]  }
0x1a: {  	s8 =	sadd.s32 $0xFFFFE003, lr  }
0x1b: {  	s9 =	sadd.s32 $0xFFFFFEF7, lr;
	s5 =	simm.s32 $0xFFFFFFFF;
	p2 =	slt.u32 s8, $0xFFFFF086  }
0x1c: {  	p1 =	slt.u32 s9, $0xF7A;
	s5 =	simm.s32 @!p2 $0x0  }
0x1d: {  	s5 =	simm.s32 @p1 $0x1;
	p0 =	seq.s32 s7, s2  }
0x1e: {  	s7 =	smul.u32 @!p0 $0xF7A, s2;
	p2 =	seq.s32 @!p0 s5, $0x0  }
0x1f: {  	s9 =	smul.u32 $0xF7A, s1;
	s8 =	simm.s32 @!p0 $0x1BF5;
	p2 =	por !p2, p0  }
0x20: {  	[sflag:s8] =	ssyncset.s32 @!p0 $0xFFFFF086;
	s6 =	sadd.s32 @!p0 s3, s7;
	s7 =	simm.s32 @!p0 $0x108  }
0x21: {  	s3 =	sadd.s32 s3, s9;
	s6 =	sadd.s32 @!p0 $0x88, s6;
	s7 =	simm.s32 @p2 $0x1082  }
0x22: {  	[simem:s7], [sflag:s8] =	dma.local @!p0 [hbm:s6], $0xF7A  }
0x23: {  	s9 =	sor.u32 $0xD0000000, s2;
	s6 =	simm.s32 $0x108;
	_ =	swait.ge @!p0 [sflag:s8], $0x0  }
0x24: {  	s3 =	sadd.s32 $0x88, s3;
	s6 =	simm.s32 @!p1 $0x1082;
	[sflag:s4] =	ssyncset.s32 $0xFFFFF086  }
0x25: {  	[simem:s6], [sflag:s4] =	dma.local [hbm:s3], $0xF7A  }
0x26: {  	[smem:$0x3F9F] =	sst s1;
	(tag) =	ssettag s2;
	_ =	strace s9  }
0x27: {  	s1 =	sld [smem:$0x3FAF]  }
0x28: {  	s2 =	sld [smem:$0x3FB0]  }
0x29: {  	s4 =	sld [smem:$0x3FB2]  }
0x2a: {  	p0 =	seq.s32 s5, $0x0;
	s5 =	sld [smem:$0x3FB3]  }
0x2b: {  	s6 =	sld [smem:$0x3FB4]  }
0x2c: {  	s7 =	sld [smem:$0x3FB5]  }
0x2d: {  	s3 =	simm.s32 $0x108;
	s8 =	sld [smem:$0x3FB6]  }
0x2e: {  	s3 =	simm.s32 @!p0 $0x1082;
	s9 =	sld [smem:$0x3FB7]  }
0x2f: {  	lr =	sadd.s32 s0, s3;
	s0 =	sld [smem:$0x3FAE]  }
0x30: {  	s3 =	sld [smem:$0x3FB1]  }
0x31: {  	[smem:$0x3FBA] =	sst s10  }
0x32: {  	s10 =	sld [smem:$0x3FB8];
	_ =	sdelay $0x3  }
0x33: {  	p0 =	seq.s32 s10, $0x1;
	s10 =	sld [smem:$0x3FBA];
	_ =	sdelay $0x3  }
0x34: {  	[smem:$0x3FBA] =	sst s10  }
0x35: {  	s10 =	sld [smem:$0x3FB9];
	_ =	sdelay $0x3  }
0x36: {  	p1 =	seq.s32 s10, $0x1;
	s10 =	sld [smem:$0x3FBA];
	_ =	sdelay $0x3  }
0x37: {  	[smem:$0x3FBA] =	sst s10  }
0x38: {  	s10 =	sld [smem:$0x3FBB]  }
0x39: {  	_ = 	snop;
	(pc) =	sbr.ind lr, $3  }
0x3a: {  	_ = 	snop  }
0x3b: {  	_ = 	snop  }
0x3c: {  	p2 =	seq.s32 s10, $0x1;
	s10 =	sld [smem:$0x3FBA]  }
0x3d: {  	_ =	shalt  }
0x3e: {  	_ =	shalt  }
0x3f: {  	_ =	shalt  }
0x40: {  	_ =	shalt  }
0x41: {  	_ =	shalt  }
0x42: {  	_ =	shalt  }
0x43: {  	_ =	shalt  }
0x44: {  	_ =	shalt  }
0x45: {  	_ =	shalt  }
0x46: {  	_ =	shalt  }
0x47: {  	_ =	shalt  }
0x48: {  	_ =	shalt  }
0x49: {  	_ =	shalt  }
0x4a: {  	_ =	shalt  }
0x4b: {  	_ =	shalt  }
0x4c: {  	_ =	shalt  }
0x4d: {  	_ =	shalt  }
0x4e: {  	_ =	shalt  }
0x4f: {  	_ =	shalt  }
0x50: {  	_ =	shalt  }
0x51: {  	_ =	shalt  }
0x52: {  	_ =	shalt  }
0x53: {  	_ =	shalt  }
0x54: {  	_ =	shalt  }
0x55: {  	_ =	shalt  }
0x56: {  	_ =	shalt  }
0x57: {  	_ =	shalt  }
0x58: {  	_ =	shalt  }
0x59: {  	_ =	shalt  }
0x5a: {  	_ =	shalt  }
0x5b: {  	_ =	shalt  }
0x5c: {  	_ =	shalt  }
0x5d: {  	_ =	shalt  }
0x5e: {  	_ =	shalt  }
0x5f: {  	_ =	shalt  }
0x60: {  	_ =	shalt  }
0x61: {  	_ =	shalt  }
0x62: {  	_ =	shalt  }
0x63: {  	_ =	shalt  }
0x64: {  	_ =	shalt  }
0x65: {  	_ =	shalt  }
0x66: {  	_ =	shalt  }
0x67: {  	_ =	shalt  }
0x68: {  	_ =	shalt  }
0x69: {  	_ =	shalt  }
0x6a: {  	_ =	shalt  }
0x6b: {  	_ =	shalt  }
0x6c: {  	_ =	shalt  }
0x6d: {  	_ =	shalt  }
0x6e: {  	_ =	shalt  }
0x6f: {  	_ =	shalt  }
0x70: {  	_ =	shalt  }
0x71: {  	_ =	shalt  }
0x72: {  	_ =	shalt  }
0x73: {  	_ =	shalt  }
0x74: {  	_ =	shalt  }
0x75: {  	_ =	shalt  }
0x76: {  	_ =	shalt  }
0x77: {  	_ =	shalt  }
0x78: {  	_ =	shalt  }
0x79: {  	_ =	shalt  }
0x7a: {  	_ =	shalt  }
0x7b: {  	_ =	shalt  }
0x7c: {  	_ =	shalt  }
0x7d: {  	_ =	shalt  }
0x7e: {  	_ =	shalt  }
0x7f: {  	_ =	shalt  }
0x80: {  	_ =	shalt  }
0x81: {  	_ =	shalt  }
0x82: {  	_ =	shalt  }
0x83: {  	_ =	shalt  }
0x84: {  	_ =	shalt  }
0x85: {  	_ =	shalt  }
0x86: {  	_ =	shalt  }
0x87: {  	_ =	shalt  }
.Lfunc_end0:
.L_simem_size_0:
called_computation_lowered:
.L_overlay_start_0:
0x88: {  	s2 =	sld [smem:$0x3FD9]  }
0x89: {  	s3 =	sld [smem:$0x3FFE];
	_ =	sdelay $0x1  }
0x8a: {  	s1 =	srdreg.scid  }
0x8b: {  	s0 =	sand.u32 $0x1, s1  }
0x8c: {  	s18 =	sshll.u32 s0, $0xA;
	s2 =	sadd.s32 s3, s2  }
0x8d: {  	s2 =	sadd.s32 s2, s18  }
0x8e: {  	[smem:$0x3FC6] =	sst s2  }
0x8f: {  	_ = 	snop  }
0x90: {  	s2 =	sld [smem:$0x3FC9]  }
0x91: {  	s19 =	sld [smem:$0x3FC8]  }
0x92: {  	s4 =	sld [smem:$0x3FD0];
	(tm) =	ssettm $0x1  }
0x93: {  	s5 =	sld [smem:$0x3FFB];
	_ =	sdelay $0x3  }
0x94: {  	_ =	strace s5  }
0x95: {  	s5 =	sld [smem:$0x3FFC];
	_ =	sdelay $0x3  }
0x96: {  	_ =	strace s5  }
0x97: {  	s5 =	sld [smem:$0x3FFD];
	_ =	sdelay $0x3  }
0x98: {  	_ =	strace s5  }
0x99: {  	_ =	strace $0x8FFFFFFF  }
0x9a: {  	s20 =	sld [smem:$0x3FDB];
	_ =	sdelay $0x1  }
0x9b: {  	s6 =	simm.s32 $_scs_section_size  }
0x9c: {  	s7 =	simm.s32 $_size__tile_overlayer_lowered;
	s8 =	simm.s32 $_tile_overlayer_lowered  }
0x9d: {  	s23 =	simm.s32 $0x1BFF;
	s22 =	sshll.u32 s8, $0x1;
	s5 =	sadd.s32 s6, s20  }
0x9e: {  	s9 =	simm.s32 $0x0;
	s21 =	sshll.u32 s7, $0x1;
	s7 =	sadd.s32 s22, s5  }
0x9f: {  	[timem:s9], [sflag:s23] =	dma.local [hbm:s7], s21  }
0xa0: {  	_ =	swait.ge [sflag:s23], s21  }
0xa1: {  	s6 =	ssub.s32 $0x0, s21;
	[sflag:s23] =	ssyncset.done $0x0  }
0xa2: {  	[sflag:s23] =	ssyncadd.s32 s6;
	_ =	sdelay $0x1  }
0xa3: {  	s24 =	simm.s32 $0x1B8B  }
0xa4: {  	_ =	swait.ge [sflag:s24], $0x1  }
0xa5: {  	[sflag:s24] =	ssyncset.done $0x0  }
0xa6: {  	s25 =	simm.s32 $0x1B8E;
	[sflag:s24] =	ssyncadd.s32 $0xFFFFFFFF  }
0xa7: {  	s26 =	simm.s32 $execute0_lowered;
	[smem:$0x3FD2] =	sst s25  }
0xa8: {  	s6 =	sshll.u32 s26, $0x1;
	_ =	strace $0x80000046;
	[dreg:$0x1] =	wrdreg $0xFFFFFFFF  }
0xa9: {  	s28 =	simm.s32 $_size_execute0_lowered;
	s5 =	sadd.s32 s5, s6;
	[dreg:$0x0] =	wrdreg $0x0  }
0xaa: {  	s6 =	sshll.u32 s28, $0x1;
	[dreg:$0x2] =	wrdreg s5  }
0xab: {  	[dreg:$0x3] =	wrdreg s6  }
0xac: {  	[dreg:$0x4] =	wrdreg $0xC0  }
0xad: {  	_ =	task [dreg:s9], $0x5FFFF  }
0xae: {  	[dreg:$0x1] =	wrdreg $0xFFFFFFFF  }
0xaf: {  	[dreg:$0x0] =	wrdreg $0x60  }
0xb0: {  	[dreg:$0x2] =	wrdreg s2  }
0xb1: {  	[dreg:$0x3] =	wrdreg s19  }
0xb2: {  	[dreg:$0x4] =	wrdreg s4  }
0xb3: {  	[dreg:$0x5] =	wrdreg $0x9  }
0xb4: {  	_ =	task.clear_ibuf [dreg:s9], $0x6FFFF;
	_ =	strace $0x90000046  }
0xb5: {  	s29 =	simm.s32 $0x9;
	_ =	strace $0x80000048  }
0xb6: {  	_ =	swait.ge [sflag:s29], $0x1  }
0xb7: {  	[sflag:s29] =	ssyncadd.s32 $0xFFFFFFFF  }
0xb8: {  	_ =	strace $0x90000048  }
0xb9: {  	_ =	sfence  }
0xba: {  	s30 =	sld [smem:$0x0];
	_ =	sdelay $0x2  }
0xbb: {  	s31 =	sshll.u32 s1, $0xD;
	s1 =	sshrl.u32 s1, $0x2  }
0xbc: {  	s3 =	sand.u32 $0x4000, s31;
	s1 =	sadd.s32 s1, s30  }
0xbd: {  	s0 =	sor.u32 s3, s0;
	s1 =	sshll.u32 s1, $0x11  }
0xbe: {  	s0 =	sor.u32 s1, s0  }
0xbf: {  	s0 =	sadd.s32 $0x8F2B, s0  }
0xc0: {  	[sflag:s0] =	ssyncadd.remote.s32 $0x1  }
0xc1: {  	_ =	sfence.sel $0xFFFF  }
0xc2: {  	[dreg:$0x0] =	wrdreg $0xFFFFFFFF;
	(pc) =	sbr.abs _section_cstart, $3  }
0xc3: {  	[dreg:$0x1] =	wrdreg $0xFFFFFFFF  }
0xc4: {  	_ =	task.clear_ibuf [dreg:s9], $0x2FFFF;
	_ =	strace $0x9FFFFFFF  }
0xc5: {  	(tm) =	ssettm $0x7FFFFFFF  }
tec
execute0_lowered:
.L_overlay_start_1:
0x0: {  	(tag) =	ssettag $0x1  }
0x1: {  	s1 =	rddreg [dreg:$0x0];
	s2 =	srdreg.scid  }
0x2: {  	s0 =	stileid.u32;
	s3 =	rddreg [dreg:$0x1]  }
0x3: {  	s6 =	rddreg [dreg:$0x2];
	s5 =	sand.u32 $0x1, s2;
	s31 =	sshll.u32 s0, $0x1  }
0x4: {  	s4 =	simm.s32 $0x0;
	s10 =	simm.s32 $0x0;
	s7 =	sor.u32 s5, s31  }
0x5: {  	s2 =	rddreg [dreg:$0x3];
	s5 =	ssub.s32 $0x2, s5;
	s8 =	smul.u32 $0x600, s7  }
0x6: {  	[smem:$0x7FF] =	sst s4;
	s9 =	sshrl.u32 s5, $0x1;
	s7 =	smul.u32 $0xC0, s7  }
0x7: {  	_ =	strace $0x80000047;
	s9 =	ssub.s32 s5, s9;
	s8 =	sshrl.u32 s8, $0x3  }
0x8: {  	s5 =	sadd.s32 s6, s7;
	s7 =	smax.u32 s9, $0x1;
	s8 =	sadd.s32 s6, s8  }
0x9: {  	s9 =	simm.s32 $0x300;
	s6 =	sadd.s32 $0x60, s8;
	s8 =	simm.s32 $0x1  }
.LBB2_1:
0xa: {  	[tilespmem:s4], [sflag:$0x1] =	stream.linear.gather [hbm4b:s1+s4], $0x300, $0x38;
	[tilespmem:$0x600] =	vst v63  }
0xb: {  	_ =	swait.ge [sflag:s8], $0x300  }
0xc: {  	[sflag:s8] =	ssyncset.done $0x0  }
0xd: {  	[sflag:s8] =	ssyncadd.s32 $0xFFFFFD00  }
0xe: {  	[tilespmem:s9], [sflag:$0x1] =	stream.linear.gather [hbm4b:s3+s4], $0x300, $0x38;
	[tilespmem:$0x600] =	vst v63  }
0xf: {  	_ =	swait.ge [sflag:s8], $0x300  }
0x10: {  	[sflag:s8] =	ssyncset.done $0x0  }
0x11: {  	s11 =	simm.s32 $0x0;
	[sflag:s8] =	ssyncadd.s32 $0xFFFFFD00  }
0x12: {  	v0 =	vld [tilespmem:s11+$0x370]  }
0x13: {  	v1 =	vld [tilespmem:s11+$0x300]  }
0x14: {  	v2 =	vld [tilespmem:s11+$0x310]  }
0x15: {  	v3 =	vld [tilespmem:s11+$0x320]  }
0x16: {  	v4 =	vld [tilespmem:s11+$0x330]  }
0x17: {  	v5 =	vld [tilespmem:s11+$0x340]  }
0x18: {  	v6 =	vld [tilespmem:s11+$0x350]  }
0x19: {  	[tilespmem:s11+$0x70] =	vst.add.f32.msk $0xffff, v0  }
0x1a: {  	v0 =	vld [tilespmem:s11+$0x360]  }
0x1b: {  	[tilespmem:s11+$0x0] =	vst.add.f32.msk $0xffff, v1  }
0x1c: {  	[tilespmem:s11+$0x10] =	vst.add.f32.msk $0xffff, v2  }
0x1d: {  	[tilespmem:s11+$0x20] =	vst.add.f32.msk $0xffff, v3  }
0x1e: {  	[tilespmem:s11+$0x30] =	vst.add.f32.msk $0xffff, v4  }
0x1f: {  	[tilespmem:s11+$0x40] =	vst.add.f32.msk $0xffff, v5  }
0x20: {  	s12 =	simm.s32 $0x0;
	s13 =	simm.s32 $0x200;
	[tilespmem:s11+$0x50] =	vst.add.f32.msk $0xffff, v6  }
.LBB2_2:
0x21: {  	s12 =	sadd.s32 $0x8, s12;
	[tilespmem:s11+$0x60] =	vst.add.f32.msk $0xffff, v0;
	s11 =	sshra.s32 s13, $0x2  }
0x22: {  	v0 =	vld [tilespmem:s11+$0x370];
	p0 =	slt.u32 s12, $0x28  }
0x23: {  	v1 =	vld [tilespmem:s11+$0x300]  }
0x24: {  	v2 =	vld [tilespmem:s11+$0x310]  }
0x25: {  	v3 =	vld [tilespmem:s11+$0x320]  }
0x26: {  	v4 =	vld [tilespmem:s11+$0x330]  }
0x27: {  	[tilespmem:s11+$0x70] =	vst.add.f32.msk $0xffff, v0  }
0x28: {  	v5 =	vld [tilespmem:s11+$0x340]  }
0x29: {  	v6 =	vld [tilespmem:s11+$0x350]  }
0x2a: {  	v0 =	vld [tilespmem:s11+$0x360]  }
0x2b: {  	[tilespmem:s11+$0x0] =	vst.add.f32.msk $0xffff, v1  }
.Ltmp0:
0x2c: {  	[tilespmem:s11+$0x10] =	vst.add.f32.msk $0xffff, v2;
	(pc) =	sbr.rel @p0 .LBB2_2-.Ltmp0, $4  }
0x2d: {  	[tilespmem:s11+$0x20] =	vst.add.f32.msk $0xffff, v3  }
0x2e: {  	[tilespmem:s11+$0x30] =	vst.add.f32.msk $0xffff, v4  }
0x2f: {  	[tilespmem:s11+$0x40] =	vst.add.f32.msk $0xffff, v5  }
0x30: {  	s13 =	sadd.s32 $0x200, s13;
	[tilespmem:s11+$0x50] =	vst.add.f32.msk $0xffff, v6  }
0x31: {  	[tilespmem:s11+$0x60] =	vst.add.f32.msk $0xffff, v0  }
0x32: {  	[hbm4b:s5+s4] =	stream.linear.scatter [tilespmem:s4], [sflag:$0x1], $0x300, $0x38;
	[tilespmem:$0x600] =	vst v63  }
0x33: {  	s10 =	sadd.s32 $0x1, s10;
	_ =	swait.ge [sflag:s8], $0x300  }
0x34: {  	p0 =	sne.s32 s10, s7;
	[sflag:s8] =	ssyncset.done $0x0  }
.Ltmp1:
0x35: {  	[sflag:s8] =	ssyncadd.s32 $0xFFFFFD00;
	(pc) =	sbr.rel @p0 .LBB2_1-.Ltmp1, $4  }
0x36: {  	[hbm4b:s6+s4] =	stream.linear.scatter [tilespmem:s4], [sflag:$0x1], $0x300, $0x38;
	[tilespmem:$0x600] =	vst v63  }
0x37: {  	_ =	swait.ge [sflag:s8], $0x300  }
0x38: {  	[sflag:s8] =	ssyncset.done $0x0  }
0x39: {  	[sflag:s8] =	ssyncadd.s32 $0xFFFFFD00  }
0x3a: {  	_ =	sfence.sel $0x180000  }
0x3b: {  	[bflag:$0x0] =	sbarrier.arrive $0xFFFF  }
0x3c: {  	p0 =	sne.s32 s0, $0x0;
	_ =	strace $0x90000047  }
0x3d: {  	s0 =	sadd.s32 @!p0 $0x100000, s2;
	[bflag:$0x2] =	sbarrier.arrive $0xFFFF  }
0x3e: {  	[sflag:s0] =	ssyncadd.tile.s32 @!p0 $0x1;
	_ =	shalt  }
.Lfunc_end2:
_tile_overlayer_lowered:
.L_overlay_start_2:
0x3f: {  	(tag) =	ssettag $0x2  }
0x40: {  	s0 =	rddreg [dreg:$0x0];
	s2 =	stileid.u32  }
0x41: {  	s1 =	rddreg [dreg:$0x1];
	p0 =	sne.s32 s2, $0x0  }
0x42: {  	s3 =	rddreg [dreg:$0x2];
	[bflag:$0x3] =	sbarrier.arrive $0xFFFF;
	s2 =	simm.s32 @!p0 $0x1C01  }
0x43: {  	[timem:s3], [sflag:s2] =	dma.local @!p0 [hbm:s0], s1  }
0x44: {  	s0 =	simm.s32 @!p0 $0x1  }
0x45: {  	_ =	swait.ge @!p0 [sflag:s0], s1  }
0x46: {  	s1 =	ssub.s32 @!p0 $0x0, s1;
	[sflag:s0] =	ssyncset.done @!p0 $0x0  }
0x47: {  	[sflag:s0] =	ssyncadd.s32 @!p0 s1  }
0x48: {  	[bflag:$0x3] =	sbarrier.arrive $0xFFFF  }
0x49: {  	_ =	shalt  }

</sc_bundles>
